<compile_context>
chip_gen: v7x
topology: tpu7x:2x2x1
jax: 0.10.2.dev20260603
libtpu: 0.0.44.dev20260713+nightly
codegen_flags: <defaults>
</compile_context>

<pallas_src>
import jax
import jax.numpy as jnp
from jax import lax
from jax.experimental import pallas as pl
from jax.experimental.pallas import tpu as pltpu
from jax.experimental.pallas import tpu_sc as plsc

NUM_EMB = 1_000_000
FEATURES = 32
BATCH = 4096
HIST = 50

NC = 2
NS = 16
NW = NC * NS

B_TOTAL = BATCH * HIST
B_PER_W = B_TOTAL // NW
CHUNK = 1_600
N_CHUNKS = B_PER_W // CHUNK

_MESH = plsc.VectorSubcoreMesh(core_axis_name="c", subcore_axis_name="s")


def _body(idx_hbm, table_hbm, out_hbm, i0, i1, r0, r1, is0, is1, gsem, ws0, ws1):
    wid = lax.axis_index("s") * NC + lax.axis_index("c")
    ibufs = (i0, i1)
    rbufs = (r0, r1)
    isems = (is0, is1)
    wsems = (ws0, ws1)
    icopies = [None, None]
    wcopies = [None, None]

    pltpu.sync_copy(idx_hbm.at[pl.ds(wid * B_PER_W, CHUNK)], ibufs[0])
    for j in range(N_CHUNKS):
        p = j % 2
        if icopies[p] is not None:
            icopies[p].wait()
        if j + 1 < N_CHUNKS:
            icopies[1 - p] = pltpu.async_copy(
                idx_hbm.at[pl.ds(wid * B_PER_W + (j + 1) * CHUNK, CHUNK)],
                ibufs[1 - p],
                isems[1 - p],
            )
        if wcopies[p] is not None:
            wcopies[p].wait()
        pltpu.async_copy(table_hbm.at[ibufs[p]], rbufs[p], gsem).wait()
        wcopies[p] = pltpu.async_copy(
            rbufs[p],
            out_hbm.at[pl.ds(wid * B_PER_W + j * CHUNK, CHUNK)],
            wsems[p],
        )
    for w in wcopies:
        if w is not None:
            w.wait()


_gather = pl.kernel(
    _body,
    out_type=jax.ShapeDtypeStruct((B_TOTAL, FEATURES), jnp.float32),
    mesh=_MESH,
    scratch_types=[
        pltpu.VMEM((CHUNK,), jnp.int32),
        pltpu.VMEM((CHUNK,), jnp.int32),
        pltpu.VMEM((CHUNK, FEATURES), jnp.float32),
        pltpu.VMEM((CHUNK, FEATURES), jnp.float32),
        pltpu.SemaphoreType.DMA,
        pltpu.SemaphoreType.DMA,
        pltpu.SemaphoreType.DMA,
        pltpu.SemaphoreType.DMA,
        pltpu.SemaphoreType.DMA,
    ],
    compiler_params=pltpu.CompilerParams(use_tc_tiling_on_sc=False),
)


def kernel(inputs, embedding):
    idx = inputs.reshape(-1).astype(jnp.int32)
    out = _gather(idx, embedding)
    return out.reshape(BATCH, HIST, FEATURES)

# --- scband reference (transcript-rebuilt; emitter-appended) ---
"""Pipeline reference for scband-embed-13615046328388 (READ-ONLY COPY).

The authoritative reference and input builder live on the scoring server;
editing this copy changes nothing except your own understanding.
"""

import jax, jax.numpy as jnp
import numpy as np

NUM_EMBEDDINGS = 1000000
FEATURES = 32
BATCH = 4096
HIST = 50


def setup_inputs(seed: int = 0) -> dict:
    key = jax.random.key(seed)
    k_idx, k_emb = jax.random.split(key)
    inputs = jax.random.randint(k_idx, (BATCH, HIST), 0, NUM_EMBEDDINGS, dtype=jnp.int64 if jax.config.jax_enable_x64 else jnp.int32)
    # embedding initialized like flax default_embed_init (variance scaling, fan_in, normal)
    embedding = jax.random.normal(k_emb, (NUM_EMBEDDINGS, FEATURES), dtype=jnp.float32) * (1.0 / np.sqrt(FEATURES))
    return {"inputs": inputs, "embedding": embedding}


def reference(inputs, embedding):
    # embed_lookup_style == 'index': plain gather of rows from the table
    output = jnp.asarray(embedding, jnp.float32)[inputs]
    return output

if __name__ == "__main__":
    import jax
    _d = setup_inputs()
    print(jax.jit(kernel)(*tuple(_d.values())))

</pallas_src>

<mosaic_0001>
#map = affine_map<(d0, d1) -> (0)>
#map1 = affine_map<(d0, d1) -> (0, 0)>
module attributes {stable_mosaic.version = 14 : i64} {
  func.func @_body(%arg0: i32, %arg1: i32, %arg2: memref<204800xi32, #tpu.memory_space<hbm>>, %arg3: memref<1000000x32xf32, #tpu.memory_space<hbm>>, %arg4: memref<204800x32xf32, #tpu.memory_space<hbm>>, %arg5: memref<1600xi32, #tpu.memory_space<vmem>>, %arg6: memref<1600xi32, #tpu.memory_space<vmem>>, %arg7: memref<1600x32xf32, #tpu.memory_space<vmem>>, %arg8: memref<1600x32xf32, #tpu.memory_space<vmem>>, %arg9: memref<!tpu.dma_semaphore, #tpu.memory_space<semaphore_mem>>, %arg10: memref<!tpu.dma_semaphore, #tpu.memory_space<semaphore_mem>>, %arg11: memref<!tpu.dma_semaphore, #tpu.memory_space<semaphore_mem>>, %arg12: memref<!tpu.dma_semaphore, #tpu.memory_space<semaphore_mem>>, %arg13: memref<!tpu.dma_semaphore, #tpu.memory_space<semaphore_mem>>) attributes {dimension_semantics = [#tpu.dimension_semantics<core_parallel>, #tpu.dimension_semantics<subcore_parallel>], iteration_bounds = array<i64: 2, 16>, scalar_prefetch = 0 : i64, scratch_operands = 9 : i64, tpu.core_type = #tpu.core_type<sc_vector_subcore>, window_params = [{transform_indices = #map}, {transform_indices = #map1}, {transform_indices = #map1}]} {
    %mul3A = arith.constant 2 : i32
    %mul3A_0 = arith.muli %arg1, %mul3A : i32
    %add3A = arith.addi %mul3A_0, %arg0 : i32
    %mul3A_1 = arith.constant 6400 : i32
    %mul3A_2 = arith.muli %add3A, %mul3A_1 : i32
    "tpu.region"() ({
      %run_scoped3A = tpu.sem_alloc : memref<!tpu.dma_semaphore, #tpu.memory_space<semaphore_mem>>
      %dma_start3A_97 = tpu.memref_slice %arg2[%mul3A_2] : memref<204800xi32, #tpu.memory_space<hbm>> -> memref<1600xi32, #tpu.memory_space<hbm>>
      %dma_start3A_98 = tpu.memref_slice %arg2[%mul3A_2] : memref<204800xi32, #tpu.memory_space<hbm>> -> memref<1600xi32, #tpu.memory_space<hbm>>
      tpu.enqueue_dma source(%dma_start3A_98 : memref<1600xi32, #tpu.memory_space<hbm>>) target(%arg5 : memref<1600xi32, #tpu.memory_space<vmem>>) target_semaphore(%run_scoped3A : memref<!tpu.dma_semaphore, #tpu.memory_space<semaphore_mem>>)
      %dma_wait3A_99 = tpu.memref_slice %arg2[%mul3A_2] : memref<204800xi32, #tpu.memory_space<hbm>> -> memref<1600xi32, #tpu.memory_space<hbm>>
      %dma_wait3A_100 = tpu.memref_slice %arg2[%mul3A_2] : memref<204800xi32, #tpu.memory_space<hbm>> -> memref<1600xi32, #tpu.memory_space<hbm>>
      tpu.wait_dma2 semaphore(%run_scoped3A : memref<!tpu.dma_semaphore, #tpu.memory_space<semaphore_mem>>) src(%dma_wait3A_100 : memref<1600xi32, #tpu.memory_space<hbm>>) dst(%arg5 : memref<1600xi32, #tpu.memory_space<vmem>>)
      tpu.yield
    }) : () -> ()
    %mul3A_3 = arith.constant 6400 : i32
    %mul3A_4 = arith.muli %add3A, %mul3A_3 : i32
    %add3A_5 = arith.constant 1600 : i32
    %add3A_6 = arith.addi %mul3A_4, %add3A_5 : i32
    %dma_start3A = tpu.memref_slice %arg2[%add3A_6] : memref<204800xi32, #tpu.memory_space<hbm>> -> memref<1600xi32, #tpu.memory_space<hbm>>
    %dma_start3A_7 = tpu.memref_slice %arg2[%add3A_6] : memref<204800xi32, #tpu.memory_space<hbm>> -> memref<1600xi32, #tpu.memory_space<hbm>>
    tpu.enqueue_dma source(%dma_start3A_7 : memref<1600xi32, #tpu.memory_space<hbm>>) target(%arg6 : memref<1600xi32, #tpu.memory_space<vmem>>) target_semaphore(%arg10 : memref<!tpu.dma_semaphore, #tpu.memory_space<semaphore_mem>>)
    %dma_start3A_8 = arith.constant 0 : i32
    %dma_start3A_9 = arith.constant 0 : i32
    %dma_start3A_10 = tpu.memref_slice %arg3[%dma_start3A_8, %dma_start3A_9] : memref<1000000x32xf32, #tpu.memory_space<hbm>> -> memref<1000000x32xf32, #tpu.memory_space<hbm>>
    tpu.enqueue_indirect_dma source(%dma_start3A_10 : memref<1000000x32xf32, #tpu.memory_space<hbm>>) target(%arg7 : memref<1600x32xf32, #tpu.memory_space<vmem>>) offsets(%arg5 : memref<1600xi32, #tpu.memory_space<vmem>>) semaphore(%arg11 : memref<!tpu.dma_semaphore, #tpu.memory_space<semaphore_mem>>)
    %dma_wait3A = arith.constant 0 : i32
    %dma_wait3A_11 = arith.constant 0 : i32
    %dma_wait3A_12 = tpu.memref_slice %arg3[%dma_wait3A, %dma_wait3A_11] : memref<1000000x32xf32, #tpu.memory_space<hbm>> -> memref<1000000x32xf32, #tpu.memory_space<hbm>>
    tpu.wait_indirect_dma semaphore(%arg11 : memref<!tpu.dma_semaphore, #tpu.memory_space<semaphore_mem>>) src(%dma_wait3A_12 : memref<1000000x32xf32, #tpu.memory_space<hbm>>) dst(%arg7 : memref<1600x32xf32, #tpu.memory_space<vmem>>)
    %mul3A_13 = arith.constant 6400 : i32
    %mul3A_14 = arith.muli %add3A, %mul3A_13 : i32
    %add3A_15 = arith.constant 0 : i32
    %add3A_16 = arith.addi %mul3A_14, %add3A_15 : i32
    %dma_start3A_17 = arith.constant 0 : i32
    %dma_start3A_18 = tpu.memref_slice %arg4[%add3A_16, %dma_start3A_17] : memref<204800x32xf32, #tpu.memory_space<hbm>> -> memref<1600x32xf32, #tpu.memory_space<hbm>>
    %dma_start3A_19 = arith.constant 0 : i32
    %dma_start3A_20 = tpu.memref_slice %arg4[%add3A_16, %dma_start3A_19] : memref<204800x32xf32, #tpu.memory_space<hbm>> -> memref<1600x32xf32, #tpu.memory_space<hbm>>
    tpu.enqueue_dma source(%arg7 : memref<1600x32xf32, #tpu.memory_space<vmem>>) target(%dma_start3A_20 : memref<1600x32xf32, #tpu.memory_space<hbm>>) target_semaphore(%arg12 : memref<!tpu.dma_semaphore, #tpu.memory_space<semaphore_mem>>)
    %dma_wait3A_21 = tpu.memref_slice %arg2[%add3A_6] : memref<204800xi32, #tpu.memory_space<hbm>> -> memref<1600xi32, #tpu.memory_space<hbm>>
    %dma_wait3A_22 = tpu.memref_slice %arg2[%add3A_6] : memref<204800xi32, #tpu.memory_space<hbm>> -> memref<1600xi32, #tpu.memory_space<hbm>>
    tpu.wait_dma2 semaphore(%arg10 : memref<!tpu.dma_semaphore, #tpu.memory_space<semaphore_mem>>) src(%dma_wait3A_22 : memref<1600xi32, #tpu.memory_space<hbm>>) dst(%arg6 : memref<1600xi32, #tpu.memory_space<vmem>>)
    %mul3A_23 = arith.constant 6400 : i32
    %mul3A_24 = arith.muli %add3A, %mul3A_23 : i32
    %add3A_25 = arith.constant 3200 : i32
    %add3A_26 = arith.addi %mul3A_24, %add3A_25 : i32
    %dma_start3A_27 = tpu.memref_slice %arg2[%add3A_26] : memref<204800xi32, #tpu.memory_space<hbm>> -> memref<1600xi32, #tpu.memory_space<hbm>>
    %dma_start3A_28 = tpu.memref_slice %arg2[%add3A_26] : memref<204800xi32, #tpu.memory_space<hbm>> -> memref<1600xi32, #tpu.memory_space<hbm>>
    tpu.enqueue_dma source(%dma_start3A_28 : memref<1600xi32, #tpu.memory_space<hbm>>) target(%arg5 : memref<1600xi32, #tpu.memory_space<vmem>>) target_semaphore(%arg9 : memref<!tpu.dma_semaphore, #tpu.memory_space<semaphore_mem>>)
    %dma_start3A_29 = arith.constant 0 : i32
    %dma_start3A_30 = arith.constant 0 : i32
    %dma_start3A_31 = tpu.memref_slice %arg3[%dma_start3A_29, %dma_start3A_30] : memref<1000000x32xf32, #tpu.memory_space<hbm>> -> memref<1000000x32xf32, #tpu.memory_space<hbm>>
    tpu.enqueue_indirect_dma source(%dma_start3A_31 : memref<1000000x32xf32, #tpu.memory_space<hbm>>) target(%arg8 : memref<1600x32xf32, #tpu.memory_space<vmem>>) offsets(%arg6 : memref<1600xi32, #tpu.memory_space<vmem>>) semaphore(%arg11 : memref<!tpu.dma_semaphore, #tpu.memory_space<semaphore_mem>>)
    %dma_wait3A_32 = arith.constant 0 : i32
    %dma_wait3A_33 = arith.constant 0 : i32
    %dma_wait3A_34 = tpu.memref_slice %arg3[%dma_wait3A_32, %dma_wait3A_33] : memref<1000000x32xf32, #tpu.memory_space<hbm>> -> memref<1000000x32xf32, #tpu.memory_space<hbm>>
    tpu.wait_indirect_dma semaphore(%arg11 : memref<!tpu.dma_semaphore, #tpu.memory_space<semaphore_mem>>) src(%dma_wait3A_34 : memref<1000000x32xf32, #tpu.memory_space<hbm>>) dst(%arg8 : memref<1600x32xf32, #tpu.memory_space<vmem>>)
    %mul3A_35 = arith.constant 6400 : i32
    %mul3A_36 = arith.muli %add3A, %mul3A_35 : i32
    %add3A_37 = arith.constant 1600 : i32
    %add3A_38 = arith.addi %mul3A_36, %add3A_37 : i32
    %dma_start3A_39 = arith.constant 0 : i32
    %dma_start3A_40 = tpu.memref_slice %arg4[%add3A_38, %dma_start3A_39] : memref<204800x32xf32, #tpu.memory_space<hbm>> -> memref<1600x32xf32, #tpu.memory_space<hbm>>
    %dma_start3A_41 = arith.constant 0 : i32
    %dma_start3A_42 = tpu.memref_slice %arg4[%add3A_38, %dma_start3A_41] : memref<204800x32xf32, #tpu.memory_space<hbm>> -> memref<1600x32xf32, #tpu.memory_space<hbm>>
    tpu.enqueue_dma source(%arg8 : memref<1600x32xf32, #tpu.memory_space<vmem>>) target(%dma_start3A_42 : memref<1600x32xf32, #tpu.memory_space<hbm>>) target_semaphore(%arg13 : memref<!tpu.dma_semaphore, #tpu.memory_space<semaphore_mem>>)
    %dma_wait3A_43 = tpu.memref_slice %arg2[%add3A_26] : memref<204800xi32, #tpu.memory_space<hbm>> -> memref<1600xi32, #tpu.memory_space<hbm>>
    %dma_wait3A_44 = tpu.memref_slice %arg2[%add3A_26] : memref<204800xi32, #tpu.memory_space<hbm>> -> memref<1600xi32, #tpu.memory_space<hbm>>
    tpu.wait_dma2 semaphore(%arg9 : memref<!tpu.dma_semaphore, #tpu.memory_space<semaphore_mem>>) src(%dma_wait3A_44 : memref<1600xi32, #tpu.memory_space<hbm>>) dst(%arg5 : memref<1600xi32, #tpu.memory_space<vmem>>)
    %mul3A_45 = arith.constant 6400 : i32
    %mul3A_46 = arith.muli %add3A, %mul3A_45 : i32
    %add3A_47 = arith.constant 4800 : i32
    %add3A_48 = arith.addi %mul3A_46, %add3A_47 : i32
    %dma_start3A_49 = tpu.memref_slice %arg2[%add3A_48] : memref<204800xi32, #tpu.memory_space<hbm>> -> memref<1600xi32, #tpu.memory_space<hbm>>
    %dma_start3A_50 = tpu.memref_slice %arg2[%add3A_48] : memref<204800xi32, #tpu.memory_space<hbm>> -> memref<1600xi32, #tpu.memory_space<hbm>>
    tpu.enqueue_dma source(%dma_start3A_50 : memref<1600xi32, #tpu.memory_space<hbm>>) target(%arg6 : memref<1600xi32, #tpu.memory_space<vmem>>) target_semaphore(%arg10 : memref<!tpu.dma_semaphore, #tpu.memory_space<semaphore_mem>>)
    %dma_wait3A_51 = arith.constant 0 : i32
    %dma_wait3A_52 = tpu.memref_slice %arg4[%add3A_16, %dma_wait3A_51] : memref<204800x32xf32, #tpu.memory_space<hbm>> -> memref<1600x32xf32, #tpu.memory_space<hbm>>
    %dma_wait3A_53 = arith.constant 0 : i32
    %dma_wait3A_54 = tpu.memref_slice %arg4[%add3A_16, %dma_wait3A_53] : memref<204800x32xf32, #tpu.memory_space<hbm>> -> memref<1600x32xf32, #tpu.memory_space<hbm>>
    tpu.wait_dma2 semaphore(%arg12 : memref<!tpu.dma_semaphore, #tpu.memory_space<semaphore_mem>>) src(%arg7 : memref<1600x32xf32, #tpu.memory_space<vmem>>) dst(%dma_wait3A_54 : memref<1600x32xf32, #tpu.memory_space<hbm>>)
    %dma_start3A_55 = arith.constant 0 : i32
    %dma_start3A_56 = arith.constant 0 : i32
    %dma_start3A_57 = tpu.memref_slice %arg3[%dma_start3A_55, %dma_start3A_56] : memref<1000000x32xf32, #tpu.memory_space<hbm>> -> memref<1000000x32xf32, #tpu.memory_space<hbm>>
    tpu.enqueue_indirect_dma source(%dma_start3A_57 : memref<1000000x32xf32, #tpu.memory_space<hbm>>) target(%arg7 : memref<1600x32xf32, #tpu.memory_space<vmem>>) offsets(%arg5 : memref<1600xi32, #tpu.memory_space<vmem>>) semaphore(%arg11 : memref<!tpu.dma_semaphore, #tpu.memory_space<semaphore_mem>>)
    %dma_wait3A_58 = arith.constant 0 : i32
    %dma_wait3A_59 = arith.constant 0 : i32
    %dma_wait3A_60 = tpu.memref_slice %arg3[%dma_wait3A_58, %dma_wait3A_59] : memref<1000000x32xf32, #tpu.memory_space<hbm>> -> memref<1000000x32xf32, #tpu.memory_space<hbm>>
    tpu.wait_indirect_dma semaphore(%arg11 : memref<!tpu.dma_semaphore, #tpu.memory_space<semaphore_mem>>) src(%dma_wait3A_60 : memref<1000000x32xf32, #tpu.memory_space<hbm>>) dst(%arg7 : memref<1600x32xf32, #tpu.memory_space<vmem>>)
    %mul3A_61 = arith.constant 6400 : i32
    %mul3A_62 = arith.muli %add3A, %mul3A_61 : i32
    %add3A_63 = arith.constant 3200 : i32
    %add3A_64 = arith.addi %mul3A_62, %add3A_63 : i32
    %dma_start3A_65 = arith.constant 0 : i32
    %dma_start3A_66 = tpu.memref_slice %arg4[%add3A_64, %dma_start3A_65] : memref<204800x32xf32, #tpu.memory_space<hbm>> -> memref<1600x32xf32, #tpu.memory_space<hbm>>
    %dma_start3A_67 = arith.constant 0 : i32
    %dma_start3A_68 = tpu.memref_slice %arg4[%add3A_64, %dma_start3A_67] : memref<204800x32xf32, #tpu.memory_space<hbm>> -> memref<1600x32xf32, #tpu.memory_space<hbm>>
    tpu.enqueue_dma source(%arg7 : memref<1600x32xf32, #tpu.memory_space<vmem>>) target(%dma_start3A_68 : memref<1600x32xf32, #tpu.memory_space<hbm>>) target_semaphore(%arg12 : memref<!tpu.dma_semaphore, #tpu.memory_space<semaphore_mem>>)
    %dma_wait3A_69 = tpu.memref_slice %arg2[%add3A_48] : memref<204800xi32, #tpu.memory_space<hbm>> -> memref<1600xi32, #tpu.memory_space<hbm>>
    %dma_wait3A_70 = tpu.memref_slice %arg2[%add3A_48] : memref<204800xi32, #tpu.memory_space<hbm>> -> memref<1600xi32, #tpu.memory_space<hbm>>
    tpu.wait_dma2 semaphore(%arg10 : memref<!tpu.dma_semaphore, #tpu.memory_space<semaphore_mem>>) src(%dma_wait3A_70 : memref<1600xi32, #tpu.memory_space<hbm>>) dst(%arg6 : memref<1600xi32, #tpu.memory_space<vmem>>)
    %dma_wait3A_71 = arith.constant 0 : i32
    %dma_wait3A_72 = tpu.memref_slice %arg4[%add3A_38, %dma_wait3A_71] : memref<204800x32xf32, #tpu.memory_space<hbm>> -> memref<1600x32xf32, #tpu.memory_space<hbm>>
    %dma_wait3A_73 = arith.constant 0 : i32
    %dma_wait3A_74 = tpu.memref_slice %arg4[%add3A_38, %dma_wait3A_73] : memref<204800x32xf32, #tpu.memory_space<hbm>> -> memref<1600x32xf32, #tpu.memory_space<hbm>>
    tpu.wait_dma2 semaphore(%arg13 : memref<!tpu.dma_semaphore, #tpu.memory_space<semaphore_mem>>) src(%arg8 : memref<1600x32xf32, #tpu.memory_space<vmem>>) dst(%dma_wait3A_74 : memref<1600x32xf32, #tpu.memory_space<hbm>>)
    %dma_start3A_75 = arith.constant 0 : i32
    %dma_start3A_76 = arith.constant 0 : i32
    %dma_start3A_77 = tpu.memref_slice %arg3[%dma_start3A_75, %dma_start3A_76] : memref<1000000x32xf32, #tpu.memory_space<hbm>> -> memref<1000000x32xf32, #tpu.memory_space<hbm>>
    tpu.enqueue_indirect_dma source(%dma_start3A_77 : memref<1000000x32xf32, #tpu.memory_space<hbm>>) target(%arg8 : memref<1600x32xf32, #tpu.memory_space<vmem>>) offsets(%arg6 : memref<1600xi32, #tpu.memory_space<vmem>>) semaphore(%arg11 : memref<!tpu.dma_semaphore, #tpu.memory_space<semaphore_mem>>)
    %dma_wait3A_78 = arith.constant 0 : i32
    %dma_wait3A_79 = arith.constant 0 : i32
    %dma_wait3A_80 = tpu.memref_slice %arg3[%dma_wait3A_78, %dma_wait3A_79] : memref<1000000x32xf32, #tpu.memory_space<hbm>> -> memref<1000000x32xf32, #tpu.memory_space<hbm>>
    tpu.wait_indirect_dma semaphore(%arg11 : memref<!tpu.dma_semaphore, #tpu.memory_space<semaphore_mem>>) src(%dma_wait3A_80 : memref<1000000x32xf32, #tpu.memory_space<hbm>>) dst(%arg8 : memref<1600x32xf32, #tpu.memory_space<vmem>>)
    %mul3A_81 = arith.constant 6400 : i32
    %mul3A_82 = arith.muli %add3A, %mul3A_81 : i32
    %add3A_83 = arith.constant 4800 : i32
    %add3A_84 = arith.addi %mul3A_82, %add3A_83 : i32
    %dma_start3A_85 = arith.constant 0 : i32
    %dma_start3A_86 = tpu.memref_slice %arg4[%add3A_84, %dma_start3A_85] : memref<204800x32xf32, #tpu.memory_space<hbm>> -> memref<1600x32xf32, #tpu.memory_space<hbm>>
    %dma_start3A_87 = arith.constant 0 : i32
    %dma_start3A_88 = tpu.memref_slice %arg4[%add3A_84, %dma_start3A_87] : memref<204800x32xf32, #tpu.memory_space<hbm>> -> memref<1600x32xf32, #tpu.memory_space<hbm>>
    tpu.enqueue_dma source(%arg8 : memref<1600x32xf32, #tpu.memory_space<vmem>>) target(%dma_start3A_88 : memref<1600x32xf32, #tpu.memory_space<hbm>>) target_semaphore(%arg13 : memref<!tpu.dma_semaphore, #tpu.memory_space<semaphore_mem>>)
    %dma_wait3A_89 = arith.constant 0 : i32
    %dma_wait3A_90 = tpu.memref_slice %arg4[%add3A_64, %dma_wait3A_89] : memref<204800x32xf32, #tpu.memory_space<hbm>> -> memref<1600x32xf32, #tpu.memory_space<hbm>>
    %dma_wait3A_91 = arith.constant 0 : i32
    %dma_wait3A_92 = tpu.memref_slice %arg4[%add3A_64, %dma_wait3A_91] : memref<204800x32xf32, #tpu.memory_space<hbm>> -> memref<1600x32xf32, #tpu.memory_space<hbm>>
    tpu.wait_dma2 semaphore(%arg12 : memref<!tpu.dma_semaphore, #tpu.memory_space<semaphore_mem>>) src(%arg7 : memref<1600x32xf32, #tpu.memory_space<vmem>>) dst(%dma_wait3A_92 : memref<1600x32xf32, #tpu.memory_space<hbm>>)
    %dma_wait3A_93 = arith.constant 0 : i32
    %dma_wait3A_94 = tpu.memref_slice %arg4[%add3A_84, %dma_wait3A_93] : memref<204800x32xf32, #tpu.memory_space<hbm>> -> memref<1600x32xf32, #tpu.memory_space<hbm>>
    %dma_wait3A_95 = arith.constant 0 : i32
    %dma_wait3A_96 = tpu.memref_slice %arg4[%add3A_84, %dma_wait3A_95] : memref<204800x32xf32, #tpu.memory_space<hbm>> -> memref<1600x32xf32, #tpu.memory_space<hbm>>
    tpu.wait_dma2 semaphore(%arg13 : memref<!tpu.dma_semaphore, #tpu.memory_space<semaphore_mem>>) src(%arg8 : memref<1600x32xf32, #tpu.memory_space<vmem>>) dst(%dma_wait3A_96 : memref<1600x32xf32, #tpu.memory_space<hbm>>)
    return
  }
}

</mosaic_0001>

<sc_bundles>
// kernel: kernel.3.cloned.1.call-start
scs
__scs_entry_jumppad:
0x0: {  	(pc) =	sbr.rel $0x88, $3  }
0x1: {  	(tag) =	ssettag $0x0;
	lr =	simm.s32 $0x1  }
0x2: {  	[smem:$0x3F9F] =	sst lr;
	_ =	strace $0xD0000000  }
0x3: {  	_ = 	snop  }
0x4: {  	_ = 	snop  }
0x5: {  	_ = 	snop  }
0x6: {  	_ = 	snop  }
0x7: {  	_ = 	snop  }
__scs_overlays_trampoline_lowered:
0x8: {  	[smem:$0x3FAE] =	sst s0  }
0x9: {  	[smem:$0x3FAF] =	sst s1  }
0xa: {  	[smem:$0x3FB0] =	sst s2  }
0xb: {  	[smem:$0x3FB1] =	sst s3  }
0xc: {  	[smem:$0x3FB2] =	sst s4  }
0xd: {  	[smem:$0x3FB3] =	sst s5  }
0xe: {  	[smem:$0x3FB4] =	sst s6  }
0xf: {  	[smem:$0x3FB5] =	sst s7  }
0x10: {  	[smem:$0x3FB6] =	sst s8  }
0x11: {  	[smem:$0x3FB7] =	sst s9;
	s0 =	simm.s32 @!p0 $0x0  }
0x12: {  	s1 =	sld [smem:$0x3F9D];
	s0 =	simm.s32 @p0 $0x1  }
0x13: {  	[smem:$0x3FB8] =	sst s0;
	s0 =	simm.s32 @!p1 $0x0  }
0x14: {  	s2 =	sld [smem:$0x3F9C];
	s0 =	simm.s32 @p1 $0x1  }
0x15: {  	[smem:$0x3FB9] =	sst s0;
	s0 =	simm.s32 @!p2 $0x0  }
0x16: {  	s3 =	sld [smem:$0x3FDB];
	s0 =	simm.s32 @p2 $0x1  }
0x17: {  	s4 =	simm.s32 $0x1BF5;
	[smem:$0x3FBB] =	sst s0  }
0x18: {  	s0 =	sld [smem:$0x3F9E];
	_ =	swait.ge [sflag:s4], $0x0  }
0x19: {  	s7 =	sld [smem:$0x3F9F]  }
0x1a: {  	s8 =	sadd.s32 $0xFFFFE003, lr  }
0x1b: {  	s9 =	sadd.s32 $0xFFFFFEF7, lr;
	s5 =	simm.s32 $0xFFFFFFFF;
	p2 =	slt.u32 s8, $0xFFFFF086  }
0x1c: {  	p1 =	slt.u32 s9, $0xF7A;
	s5 =	simm.s32 @!p2 $0x0  }
0x1d: {  	s5 =	simm.s32 @p1 $0x1;
	p0 =	seq.s32 s7, s2  }
0x1e: {  	s7 =	smul.u32 @!p0 $0xF7A, s2;
	p2 =	seq.s32 @!p0 s5, $0x0  }
0x1f: {  	s9 =	smul.u32 $0xF7A, s1;
	s8 =	simm.s32 @!p0 $0x1BF5;
	p2 =	por !p2, p0  }
0x20: {  	[sflag:s8] =	ssyncset.s32 @!p0 $0xFFFFF086;
	s6 =	sadd.s32 @!p0 s3, s7;
	s7 =	simm.s32 @!p0 $0x108  }
0x21: {  	s3 =	sadd.s32 s3, s9;
	s6 =	sadd.s32 @!p0 $0x88, s6;
	s7 =	simm.s32 @p2 $0x1082  }
0x22: {  	[simem:s7], [sflag:s8] =	dma.local @!p0 [hbm:s6], $0xF7A  }
0x23: {  	s9 =	sor.u32 $0xD0000000, s2;
	s6 =	simm.s32 $0x108;
	_ =	swait.ge @!p0 [sflag:s8], $0x0  }
0x24: {  	s3 =	sadd.s32 $0x88, s3;
	s6 =	simm.s32 @!p1 $0x1082;
	[sflag:s4] =	ssyncset.s32 $0xFFFFF086  }
0x25: {  	[simem:s6], [sflag:s4] =	dma.local [hbm:s3], $0xF7A  }
0x26: {  	[smem:$0x3F9F] =	sst s1;
	(tag) =	ssettag s2;
	_ =	strace s9  }
0x27: {  	s1 =	sld [smem:$0x3FAF]  }
0x28: {  	s2 =	sld [smem:$0x3FB0]  }
0x29: {  	s4 =	sld [smem:$0x3FB2]  }
0x2a: {  	p0 =	seq.s32 s5, $0x0;
	s5 =	sld [smem:$0x3FB3]  }
0x2b: {  	s6 =	sld [smem:$0x3FB4]  }
0x2c: {  	s7 =	sld [smem:$0x3FB5]  }
0x2d: {  	s3 =	simm.s32 $0x108;
	s8 =	sld [smem:$0x3FB6]  }
0x2e: {  	s3 =	simm.s32 @!p0 $0x1082;
	s9 =	sld [smem:$0x3FB7]  }
0x2f: {  	lr =	sadd.s32 s0, s3;
	s0 =	sld [smem:$0x3FAE]  }
0x30: {  	s3 =	sld [smem:$0x3FB1]  }
0x31: {  	[smem:$0x3FBA] =	sst s10  }
0x32: {  	s10 =	sld [smem:$0x3FB8];
	_ =	sdelay $0x3  }
0x33: {  	p0 =	seq.s32 s10, $0x1;
	s10 =	sld [smem:$0x3FBA];
	_ =	sdelay $0x3  }
0x34: {  	[smem:$0x3FBA] =	sst s10  }
0x35: {  	s10 =	sld [smem:$0x3FB9];
	_ =	sdelay $0x3  }
0x36: {  	p1 =	seq.s32 s10, $0x1;
	s10 =	sld [smem:$0x3FBA];
	_ =	sdelay $0x3  }
0x37: {  	[smem:$0x3FBA] =	sst s10  }
0x38: {  	s10 =	sld [smem:$0x3FBB]  }
0x39: {  	_ = 	snop;
	(pc) =	sbr.ind lr, $3  }
0x3a: {  	_ = 	snop  }
0x3b: {  	_ = 	snop  }
0x3c: {  	p2 =	seq.s32 s10, $0x1;
	s10 =	sld [smem:$0x3FBA]  }
0x3d: {  	_ =	shalt  }
0x3e: {  	_ =	shalt  }
0x3f: {  	_ =	shalt  }
0x40: {  	_ =	shalt  }
0x41: {  	_ =	shalt  }
0x42: {  	_ =	shalt  }
0x43: {  	_ =	shalt  }
0x44: {  	_ =	shalt  }
0x45: {  	_ =	shalt  }
0x46: {  	_ =	shalt  }
0x47: {  	_ =	shalt  }
0x48: {  	_ =	shalt  }
0x49: {  	_ =	shalt  }
0x4a: {  	_ =	shalt  }
0x4b: {  	_ =	shalt  }
0x4c: {  	_ =	shalt  }
0x4d: {  	_ =	shalt  }
0x4e: {  	_ =	shalt  }
0x4f: {  	_ =	shalt  }
0x50: {  	_ =	shalt  }
0x51: {  	_ =	shalt  }
0x52: {  	_ =	shalt  }
0x53: {  	_ =	shalt  }
0x54: {  	_ =	shalt  }
0x55: {  	_ =	shalt  }
0x56: {  	_ =	shalt  }
0x57: {  	_ =	shalt  }
0x58: {  	_ =	shalt  }
0x59: {  	_ =	shalt  }
0x5a: {  	_ =	shalt  }
0x5b: {  	_ =	shalt  }
0x5c: {  	_ =	shalt  }
0x5d: {  	_ =	shalt  }
0x5e: {  	_ =	shalt  }
0x5f: {  	_ =	shalt  }
0x60: {  	_ =	shalt  }
0x61: {  	_ =	shalt  }
0x62: {  	_ =	shalt  }
0x63: {  	_ =	shalt  }
0x64: {  	_ =	shalt  }
0x65: {  	_ =	shalt  }
0x66: {  	_ =	shalt  }
0x67: {  	_ =	shalt  }
0x68: {  	_ =	shalt  }
0x69: {  	_ =	shalt  }
0x6a: {  	_ =	shalt  }
0x6b: {  	_ =	shalt  }
0x6c: {  	_ =	shalt  }
0x6d: {  	_ =	shalt  }
0x6e: {  	_ =	shalt  }
0x6f: {  	_ =	shalt  }
0x70: {  	_ =	shalt  }
0x71: {  	_ =	shalt  }
0x72: {  	_ =	shalt  }
0x73: {  	_ =	shalt  }
0x74: {  	_ =	shalt  }
0x75: {  	_ =	shalt  }
0x76: {  	_ =	shalt  }
0x77: {  	_ =	shalt  }
0x78: {  	_ =	shalt  }
0x79: {  	_ =	shalt  }
0x7a: {  	_ =	shalt  }
0x7b: {  	_ =	shalt  }
0x7c: {  	_ =	shalt  }
0x7d: {  	_ =	shalt  }
0x7e: {  	_ =	shalt  }
0x7f: {  	_ =	shalt  }
0x80: {  	_ =	shalt  }
0x81: {  	_ =	shalt  }
0x82: {  	_ =	shalt  }
0x83: {  	_ =	shalt  }
0x84: {  	_ =	shalt  }
0x85: {  	_ =	shalt  }
0x86: {  	_ =	shalt  }
0x87: {  	_ =	shalt  }
.Lfunc_end0:
.L_simem_size_0:
called_computation_lowered:
.L_overlay_start_0:
0x88: {  	s2 =	sld [smem:$0x3FD9]  }
0x89: {  	s3 =	sld [smem:$0x3FFE];
	_ =	sdelay $0x1  }
0x8a: {  	s1 =	srdreg.scid  }
0x8b: {  	s0 =	sand.u32 $0x1, s1  }
0x8c: {  	s17 =	sshll.u32 s0, $0xA;
	s2 =	sadd.s32 s3, s2  }
0x8d: {  	s2 =	sadd.s32 s2, s17  }
0x8e: {  	[smem:$0x3FC6] =	sst s2  }
0x8f: {  	_ = 	snop  }
0x90: {  	s2 =	sld [smem:$0x3FD0];
	(tm) =	ssettm $0x1  }
0x91: {  	s18 =	sld [smem:$0x3FFB];
	_ =	sdelay $0x3  }
0x92: {  	_ =	strace s18  }
0x93: {  	s3 =	sld [smem:$0x3FFC];
	_ =	sdelay $0x3  }
0x94: {  	_ =	strace s3  }
0x95: {  	s3 =	sld [smem:$0x3FFD];
	_ =	sdelay $0x3  }
0x96: {  	_ =	strace s3  }
0x97: {  	_ =	strace $0x8FFFFFFF  }
0x98: {  	s19 =	sld [smem:$0x3FDB];
	_ =	sdelay $0x1  }
0x99: {  	s4 =	simm.s32 $_scs_section_size  }
0x9a: {  	s5 =	simm.s32 $_size__tile_overlayer_lowered;
	s6 =	simm.s32 $_tile_overlayer_lowered  }
0x9b: {  	s22 =	simm.s32 $0x1BFF;
	s21 =	sshll.u32 s6, $0x1;
	s3 =	sadd.s32 s4, s19  }
0x9c: {  	s7 =	simm.s32 $0x0;
	s20 =	sshll.u32 s5, $0x1;
	s5 =	sadd.s32 s21, s3  }
0x9d: {  	[timem:s7], [sflag:s22] =	dma.local [hbm:s5], s20  }
0x9e: {  	_ =	swait.ge [sflag:s22], s20  }
0x9f: {  	s4 =	ssub.s32 $0x0, s20;
	[sflag:s22] =	ssyncset.done $0x0  }
0xa0: {  	[sflag:s22] =	ssyncadd.s32 s4;
	_ =	sdelay $0x1  }
0xa1: {  	s23 =	simm.s32 $0x1B8B  }
0xa2: {  	_ =	swait.ge [sflag:s23], $0x1  }
0xa3: {  	[sflag:s23] =	ssyncset.done $0x0  }
0xa4: {  	s25 =	simm.s32 $0x1B8E;
	s24 =	sld [smem:$0x3FFE];
	[sflag:s23] =	ssyncadd.s32 $0xFFFFFFFF  }
0xa5: {  	s26 =	simm.s32 $execute0_lowered;
	[smem:$0x3FD2] =	sst s25  }
0xa6: {  	s5 =	sshll.u32 s26, $0x1;
	_ =	strace $0x80000046;
	[dreg:$0x1] =	wrdreg $0xFFFFFFFF  }
0xa7: {  	s28 =	simm.s32 $_size_execute0_lowered;
	s3 =	sadd.s32 s3, s5;
	[dreg:$0x0] =	wrdreg $0x0  }
0xa8: {  	s5 =	sshll.u32 s28, $0x1;
	[dreg:$0x2] =	wrdreg s3  }
0xa9: {  	[dreg:$0x3] =	wrdreg s5  }
0xaa: {  	[dreg:$0x4] =	wrdreg $0xC0  }
0xab: {  	_ =	task [dreg:s7], $0x5FFFF  }
0xac: {  	[dreg:$0x1] =	wrdreg $0xFFFFFFFF  }
0xad: {  	[dreg:$0x0] =	wrdreg $0x60  }
0xae: {  	[dreg:$0x2] =	wrdreg s24  }
0xaf: {  	[dreg:$0x3] =	wrdreg s2  }
0xb0: {  	[dreg:$0x4] =	wrdreg $0x9  }
0xb1: {  	_ =	task.clear_ibuf [dreg:s7], $0x5FFFF;
	_ =	strace $0x90000046  }
0xb2: {  	s29 =	simm.s32 $0x9;
	_ =	strace $0x80000048  }
0xb3: {  	_ =	swait.ge [sflag:s29], $0x1  }
0xb4: {  	[sflag:s29] =	ssyncadd.s32 $0xFFFFFFFF  }
0xb5: {  	_ =	strace $0x90000048  }
0xb6: {  	_ =	sfence  }
0xb7: {  	s30 =	sld [smem:$0x0];
	_ =	sdelay $0x2  }
0xb8: {  	s31 =	sshll.u32 s1, $0xD;
	s1 =	sshrl.u32 s1, $0x2  }
0xb9: {  	s3 =	sand.u32 $0x4000, s31;
	s1 =	sadd.s32 s1, s30  }
0xba: {  	s0 =	sor.u32 s3, s0;
	s1 =	sshll.u32 s1, $0x11  }
0xbb: {  	s0 =	sor.u32 s1, s0  }
0xbc: {  	s0 =	sadd.s32 $0x8F2B, s0  }
0xbd: {  	[sflag:s0] =	ssyncadd.remote.s32 $0x1  }
0xbe: {  	_ =	sfence.sel $0xFFFF  }
0xbf: {  	[dreg:$0x0] =	wrdreg $0xFFFFFFFF;
	(pc) =	sbr.abs _section_cstart, $3  }
0xc0: {  	[dreg:$0x1] =	wrdreg $0xFFFFFFFF  }
0xc1: {  	_ =	task.clear_ibuf [dreg:s7], $0x2FFFF;
	_ =	strace $0x9FFFFFFF  }
0xc2: {  	(tm) =	ssettm $0x7FFFFFFF  }
0xc3: {  	_ =	shalt  }
tec
execute0_lowered:
.L_overlay_start_1:
0x0: {  	(tag) =	ssettag $0x1  }
0x1: {  	s1 =	srdreg.scid;
	s0 =	stileid.u32  }
0x2: {  	s20 =	sand.u32 $0x1, s1;
	s30 =	sshll.u32 s0, $0x1  }
0x3: {  	s10 =	sor.u32 s20, s30  }
0x4: {  	s7 =	rddreg [dreg:$0x0];
	s16 =	smul.u32 $0x1900, s10  }
0x5: {  	s21 =	rddreg [dreg:$0x1];
	s2 =	simm.s32 $0x0;
	s4 =	simm.s32 $0x6  }
0x6: {  	[smem:$0x7FF] =	sst s2;
	s17 =	sadd.s32 $0x600, s7;
	s3 =	sshrl.u32 s16, $0x3  }
0x7: {  	s1 =	rddreg [dreg:$0x2];
	_ =	strace $0x80000047;
	s3 =	sadd.s32 s17, s3  }
0x8: {  	[tilespmem:s2], [sflag:$0x6] =	stream.linear.gather [hbm4b:s3+s2], $0x640, $0x38;
	[tilespmem:$0x19C80] =	vst v63  }
0x9: {  	s14 =	sadd.s32 $0x640, s16;
	_ =	swait.ge [sflag:s4], $0x640  }
0xa: {  	s5 =	sshrl.u32 s14, $0x3;
	[sflag:s4] =	ssyncset.done $0x0  }
0xb: {  	s6 =	simm.s32 $0x640;
	s5 =	sadd.s32 s17, s5;
	[sflag:s4] =	ssyncadd.s32 $0xFFFFF9C0  }
0xc: {  	[tilespmem:s6], [sflag:$0x2] =	stream.linear.gather [hbm4b:s5+s2], $0x640, $0x38;
	[tilespmem:$0x19C80] =	vst v63  }
0xd: {  	s8 =	simm.s32 $0xC80;
	s9 =	simm.s32 $0x3;
	s7 =	sadd.s32 $0xF42A00, s7  }
0xe: {  	[tilespmem:s8], [sflag:$0x3] =	stream.indirect.gather [hbm4b:s7+s6], $0x20, s2, s6, $0xb8;
	[tilespmem:$0x19C80] =	vst v63  }
0xf: {  	s10 =	smul.u32 $0x6400, s10;
	_ =	swait.ge [sflag:s9], $0xC800  }
0x10: {  	[sflag:s9] =	ssyncset.done $0x0  }
0x11: {  	s11 =	simm.s32 $0x2;
	s10 =	sadd.s32 s21, s10;
	[sflag:s9] =	ssyncadd.s32 $0xFFFF3800  }
0x12: {  	[hbm4b:s10+s2] =	stream.linear.scatter [tilespmem:s8], [sflag:$0x4], $0xC800, $0x38;
	[tilespmem:$0x19C80] =	vst v63  }
0x13: {  	s18 =	sadd.s32 $0xC80, s16;
	_ =	swait.ge [sflag:s11], $0x640  }
0x14: {  	s12 =	sshrl.u32 s18, $0x3;
	[sflag:s11] =	ssyncset.done $0x0  }
0x15: {  	s12 =	sadd.s32 s17, s12;
	[sflag:s11] =	ssyncadd.s32 $0xFFFFF9C0  }
0x16: {  	[tilespmem:s2], [sflag:$0x1] =	stream.linear.gather [hbm4b:s12+s2], $0x640, $0x38;
	[tilespmem:$0x19C80] =	vst v63  }
0x17: {  	s13 =	simm.s32 $0xD480  }
0x18: {  	[tilespmem:s13], [sflag:$0x3] =	stream.indirect.gather [hbm4b:s7+s6], $0x20, s6, s6, $0xb8;
	[tilespmem:$0x19C80] =	vst v63  }
0x19: {  	_ =	swait.ge [sflag:s9], $0xC800  }
0x1a: {  	s14 =	sshll.u32 s14, $0x2;
	[sflag:s9] =	ssyncset.done $0x0  }
0x1b: {  	s15 =	simm.s32 $0x1;
	s14 =	sadd.s32 s21, s14;
	[sflag:s9] =	ssyncadd.s32 $0xFFFF3800  }
0x1c: {  	[hbm4b:s14+s2] =	stream.linear.scatter [tilespmem:s13], [sflag:$0x5], $0xC800, $0x38;
	[tilespmem:$0x19C80] =	vst v63  }
0x1d: {  	s22 =	sadd.s32 $0x12C0, s16;
	_ =	swait.ge [sflag:s15], $0x640  }
0x1e: {  	s16 =	sshrl.u32 s22, $0x3;
	[sflag:s15] =	ssyncset.done $0x0  }
0x1f: {  	s16 =	sadd.s32 s17, s16;
	s17 =	simm.s32 $0x4;
	[sflag:s15] =	ssyncadd.s32 $0xFFFFF9C0  }
0x20: {  	[tilespmem:s6], [sflag:$0x2] =	stream.linear.gather [hbm4b:s16+s2], $0x640, $0x38;
	[tilespmem:$0x19C80] =	vst v63  }
0x21: {  	_ =	swait.ge [sflag:s17], $0xC800  }
0x22: {  	[sflag:s17] =	ssyncset.done $0x0  }
0x23: {  	[sflag:s17] =	ssyncadd.s32 $0xFFFF3800  }
0x24: {  	[tilespmem:s8], [sflag:$0x3] =	stream.indirect.gather [hbm4b:s7+s6], $0x20, s2, s6, $0xb8;
	[tilespmem:$0x19C80] =	vst v63  }
0x25: {  	_ =	swait.ge [sflag:s9], $0xC800  }
0x26: {  	s18 =	sshll.u32 s18, $0x2;
	[sflag:s9] =	ssyncset.done $0x0  }
0x27: {  	s18 =	sadd.s32 s21, s18;
	[sflag:s9] =	ssyncadd.s32 $0xFFFF3800  }
0x28: {  	[hbm4b:s18+s2] =	stream.linear.scatter [tilespmem:s8], [sflag:$0x4], $0xC800, $0x38;
	[tilespmem:$0x19C80] =	vst v63  }
0x29: {  	_ =	swait.ge [sflag:s11], $0x640  }
0x2a: {  	[sflag:s11] =	ssyncset.done $0x0  }
0x2b: {  	s19 =	simm.s32 $0x5;
	[sflag:s11] =	ssyncadd.s32 $0xFFFFF9C0  }
0x2c: {  	_ =	swait.ge [sflag:s19], $0xC800  }
0x2d: {  	s23 =	ssub.s32 $0x2, s20;
	[sflag:s19] =	ssyncset.done $0x0  }
0x2e: {  	s31 =	sshrl.u32 s23, $0x1;
	s22 =	sshll.u32 s22, $0x2;
	[sflag:s19] =	ssyncadd.s32 $0xFFFF3800  }
0x2f: {  	[tilespmem:s13], [sflag:$0x3] =	stream.indirect.gather [hbm4b:s7+s6], $0x20, s6, s6, $0xb8;
	[tilespmem:$0x19C80] =	vst v63  }
0x30: {  	s20 =	sadd.s32 s21, s22;
	s21 =	ssub.s32 s23, s31;
	_ =	swait.ge [sflag:s9], $0xC800  }
0x31: {  	s21 =	smax.u32 s21, $0x1;
	[sflag:s9] =	ssyncset.done $0x0  }
0x32: {  	p0 =	sne.s32 s21, $0x1;
	[sflag:s9] =	ssyncadd.s32 $0xFFFF3800  }
0x33: {  	[hbm4b:s20+s2] =	stream.linear.scatter [tilespmem:s13], [sflag:$0x5], $0xC800, $0x38;
	[tilespmem:$0x19C80] =	vst v63  }
.Ltmp0:
0x34: {  	_ =	swait.ge [sflag:s17], $0xC800;
	(pc) =	sbr.rel @!p0 .LBB2_2-.Ltmp0, $4  }
0x35: {  	[sflag:s17] =	ssyncset.done $0x0  }
0x36: {  	[sflag:s17] =	ssyncadd.s32 $0xFFFF3800  }
0x37: {  	_ =	swait.ge [sflag:s19], $0xC800  }
0x38: {  	s21 =	sadd.s32 $0xFFFFFFFF, s21;
	[sflag:s19] =	ssyncset.done $0x0  }
.LBB2_1:
0x39: {  	p0 =	sne.s32 s21, $0x1;
	s21 =	sadd.s32 $0xFFFFFFFF, s21;
	[sflag:s19] =	ssyncadd.s32 $0xFFFF3800  }
0x3a: {  	[tilespmem:s2], [sflag:$0x6] =	stream.linear.gather [hbm4b:s3+s2], $0x640, $0x38;
	[tilespmem:$0x19C80] =	vst v63  }
0x3b: {  	_ =	swait.ge [sflag:s4], $0x640  }
0x3c: {  	[sflag:s4] =	ssyncset.done $0x0  }
0x3d: {  	[sflag:s4] =	ssyncadd.s32 $0xFFFFF9C0  }
0x3e: {  	[tilespmem:s6], [sflag:$0x2] =	stream.linear.gather [hbm4b:s5+s2], $0x640, $0x38;
	[tilespmem:$0x19C80] =	vst v63  }
0x3f: {  	_ = 	snop  }
0x40: {  	[tilespmem:s8], [sflag:$0x3] =	stream.indirect.gather [hbm4b:s7+s6], $0x20, s2, s6, $0xb8;
	[tilespmem:$0x19C80] =	vst v63  }
0x41: {  	_ =	swait.ge [sflag:s9], $0xC800  }
0x42: {  	[sflag:s9] =	ssyncset.done $0x0  }
0x43: {  	[sflag:s9] =	ssyncadd.s32 $0xFFFF3800  }
0x44: {  	[hbm4b:s10+s2] =	stream.linear.scatter [tilespmem:s8], [sflag:$0x4], $0xC800, $0x38;
	[tilespmem:$0x19C80] =	vst v63  }
0x45: {  	_ =	swait.ge [sflag:s11], $0x640  }
0x46: {  	[sflag:s11] =	ssyncset.done $0x0  }
0x47: {  	[sflag:s11] =	ssyncadd.s32 $0xFFFFF9C0  }
0x48: {  	[tilespmem:s2], [sflag:$0x1] =	stream.linear.gather [hbm4b:s12+s2], $0x640, $0x38;
	[tilespmem:$0x19C80] =	vst v63  }
0x49: {  	_ = 	snop  }
0x4a: {  	[tilespmem:s13], [sflag:$0x3] =	stream.indirect.gather [hbm4b:s7+s6], $0x20, s6, s6, $0xb8;
	[tilespmem:$0x19C80] =	vst v63  }
0x4b: {  	_ =	swait.ge [sflag:s9], $0xC800  }
0x4c: {  	[sflag:s9] =	ssyncset.done $0x0  }
0x4d: {  	[sflag:s9] =	ssyncadd.s32 $0xFFFF3800  }
0x4e: {  	[hbm4b:s14+s2] =	stream.linear.scatter [tilespmem:s13], [sflag:$0x5], $0xC800, $0x38;
	[tilespmem:$0x19C80] =	vst v63  }
0x4f: {  	_ =	swait.ge [sflag:s15], $0x640  }
0x50: {  	[sflag:s15] =	ssyncset.done $0x0  }
0x51: {  	[sflag:s15] =	ssyncadd.s32 $0xFFFFF9C0  }
0x52: {  	[tilespmem:s6], [sflag:$0x2] =	stream.linear.gather [hbm4b:s16+s2], $0x640, $0x38;
	[tilespmem:$0x19C80] =	vst v63  }
0x53: {  	_ =	swait.ge [sflag:s17], $0xC800  }
0x54: {  	[sflag:s17] =	ssyncset.done $0x0  }
0x55: {  	[sflag:s17] =	ssyncadd.s32 $0xFFFF3800  }
0x56: {  	[tilespmem:s8], [sflag:$0x3] =	stream.indirect.gather [hbm4b:s7+s6], $0x20, s2, s6, $0xb8;
	[tilespmem:$0x19C80] =	vst v63  }
0x57: {  	_ =	swait.ge [sflag:s9], $0xC800  }
0x58: {  	[sflag:s9] =	ssyncset.done $0x0  }
0x59: {  	[sflag:s9] =	ssyncadd.s32 $0xFFFF3800  }
0x5a: {  	[hbm4b:s18+s2] =	stream.linear.scatter [tilespmem:s8], [sflag:$0x4], $0xC800, $0x38;
	[tilespmem:$0x19C80] =	vst v63  }
0x5b: {  	_ =	swait.ge [sflag:s11], $0x640  }
0x5c: {  	[sflag:s11] =	ssyncset.done $0x0  }
0x5d: {  	[sflag:s11] =	ssyncadd.s32 $0xFFFFF9C0  }
0x5e: {  	_ =	swait.ge [sflag:s19], $0xC800  }
0x5f: {  	[sflag:s19] =	ssyncset.done $0x0  }
0x60: {  	[sflag:s19] =	ssyncadd.s32 $0xFFFF3800  }
0x61: {  	[tilespmem:s13], [sflag:$0x3] =	stream.indirect.gather [hbm4b:s7+s6], $0x20, s6, s6, $0xb8;
	[tilespmem:$0x19C80] =	vst v63  }
0x62: {  	_ =	swait.ge [sflag:s9], $0xC800  }
0x63: {  	[sflag:s9] =	ssyncset.done $0x0  }
0x64: {  	[sflag:s9] =	ssyncadd.s32 $0xFFFF3800  }
0x65: {  	[hbm4b:s20+s2] =	stream.linear.scatter [tilespmem:s13], [sflag:$0x5], $0xC800, $0x38;
	[tilespmem:$0x19C80] =	vst v63  }
.Ltmp1:
0x66: {  	_ =	swait.ge [sflag:s17], $0xC800;
	(pc) =	sbr.rel @p0 .LBB2_1-.Ltmp1, $4  }
0x67: {  	[sflag:s17] =	ssyncset.done $0x0  }
0x68: {  	[sflag:s17] =	ssyncadd.s32 $0xFFFF3800  }
0x69: {  	_ =	swait.ge [sflag:s19], $0xC800  }
0x6a: {  	[sflag:s19] =	ssyncset.done $0x0  }
.LBB2_2:
0x6b: {  	[sflag:s19] =	ssyncadd.s32 $0xFFFF3800  }
0x6c: {  	_ =	sfence.sel $0x180000  }
0x6d: {  	[bflag:$0x0] =	sbarrier.arrive $0xFFFF  }
0x6e: {  	p0 =	sne.s32 s0, $0x0;
	_ =	strace $0x90000047  }
0x6f: {  	s0 =	sadd.s32 @!p0 $0x100000, s1;
	[bflag:$0x2] =	sbarrier.arrive $0xFFFF  }
0x70: {  	[sflag:s0] =	ssyncadd.tile.s32 @!p0 $0x1;
	_ =	shalt  }
.Lfunc_end2:
_tile_overlayer_lowered:
.L_overlay_start_2:
0x71: {  	(tag) =	ssettag $0x2  }
0x72: {  	s0 =	rddreg [dreg:$0x0];
	s2 =	stileid.u32  }
0x73: {  	s1 =	rddreg [dreg:$0x1];
	p0 =	sne.s32 s2, $0x0  }
0x74: {  	s3 =	rddreg [dreg:$0x2];
	[bflag:$0x3] =	sbarrier.arrive $0xFFFF;
	s2 =	simm.s32 @!p0 $0x1C06  }
0x75: {  	[timem:s3], [sflag:s2] =	dma.local @!p0 [hbm:s0], s1  }
0x76: {  	s0 =	simm.s32 @!p0 $0x6  }
0x77: {  	_ =	swait.ge @!p0 [sflag:s0], s1  }
0x78: {  	s1 =	ssub.s32 @!p0 $0x0, s1;
	[sflag:s0] =	ssyncset.done @!p0 $0x0  }
0x79: {  	[sflag:s0] =	ssyncadd.s32 @!p0 s1  }
0x7a: {  	[bflag:$0x3] =	sbarrier.arrive $0xFFFF  }
0x7b: {  	_ =	shalt  }

</sc_bundles>
